<compile_context>
chip_gen: v7x
topology: tpu7x:2x2x1
jax: 0.10.2.dev20260603
libtpu: 0.0.44.dev20260713+nightly
codegen_flags: <defaults>
</compile_context>

<pallas_src>
import functools

import jax
import jax.numpy as jnp
from jax import lax
from jax.experimental import pallas as pl
from jax.experimental.pallas import tpu as pltpu
from jax.experimental.pallas import tpu_sc as plsc

B = 16384
D = 64
NC = 2
NS = 16
NW = NC * NS
BPW = B // NW
L = 16


def _sc_body(uidx_hbm, pidx_hbm, uemb_hbm, pemb_hbm, ubias_hbm, pbias_hbm,
             out_hbm, uidx_v, pidx_v, urows_v, prows_v, ub_v, pb_v, out_v,
             sem):
    c = lax.axis_index("c")
    s = lax.axis_index("s")
    wid = s * NC + c
    base = wid * BPW

    pltpu.sync_copy(uidx_hbm.at[pl.ds(base, BPW)], uidx_v)
    pltpu.sync_copy(pidx_hbm.at[pl.ds(base, BPW)], pidx_v)

    cp1 = pltpu.async_copy(uemb_hbm.at[uidx_v], urows_v, sem)
    cp2 = pltpu.async_copy(pemb_hbm.at[pidx_v], prows_v, sem)
    cp3 = pltpu.async_copy(ubias_hbm.at[uidx_v], ub_v, sem)
    cp4 = pltpu.async_copy(pbias_hbm.at[pidx_v], pb_v, sem)
    cp1.wait()
    cp2.wait()
    cp3.wait()
    cp4.wait()

    last_lane = lax.iota(jnp.int32, L) == (L - 1)

    def body(r, carry):
        acc = urows_v[r, pl.ds(0, L)] * prows_v[r, pl.ds(0, L)]
        for k in range(1, D // L):
            acc = acc + urows_v[r, pl.ds(L * k, L)] * prows_v[r, pl.ds(L * k, L)]
        tot = plsc.cumsum(acc)
        plsc.store_scatter(out_v, [jnp.full((L,), r, jnp.int32)], tot,
                           mask=last_lane)
        return carry

    lax.fori_loop(0, BPW, body, 0)

    def bias_body(g, carry):
        sl = pl.ds(g * L, L)
        out_v[sl] = out_v[sl] + ub_v[sl] + pb_v[sl]
        return carry

    lax.fori_loop(0, BPW // L, bias_body, 0)
    pltpu.sync_copy(out_v, out_hbm.at[pl.ds(base, BPW)])


@jax.jit
def _run(uidx, pidx, user_emb, place_emb, user_bias, place_bias):
    mesh = plsc.VectorSubcoreMesh(core_axis_name="c", subcore_axis_name="s")
    kern = functools.partial(
        pl.kernel,
        out_type=jax.ShapeDtypeStruct((B,), jnp.float32),
        mesh=mesh,
        compiler_params=pltpu.CompilerParams(
            needs_layout_passes=False, use_tc_tiling_on_sc=False),
        scratch_types=[
            pltpu.VMEM((BPW,), jnp.int32),
            pltpu.VMEM((BPW,), jnp.int32),
            pltpu.VMEM((BPW, D), jnp.float32),
            pltpu.VMEM((BPW, D), jnp.float32),
            pltpu.VMEM((BPW,), jnp.float32),
            pltpu.VMEM((BPW,), jnp.float32),
            pltpu.VMEM((BPW,), jnp.float32),
            pltpu.SemaphoreType.DMA,
        ],
    )(_sc_body)
    return kern(uidx, pidx, user_emb, place_emb, user_bias, place_bias)


def kernel(inputs, user_emb, place_emb, user_bias, place_bias):
    uidx = inputs[:, 0]
    pidx = inputs[:, 1]
    out = _run(uidx, pidx, user_emb, place_emb,
               user_bias.reshape(-1), place_bias.reshape(-1))
    return out.reshape(B, 1)

# --- scband reference (transcript-rebuilt; emitter-appended) ---
"""Pipeline reference for scband-recommender-net-52518860095701 (READ-ONLY COPY).

The authoritative reference and input builder live on the scoring server;
editing this copy changes nothing except your own understanding.
"""

import jax, jax.numpy as jnp
import numpy as np

NUM_USERS = 1000000
NUM_PLACE = 1000000
EMBED_DIM = 64
BATCH = 16384

def setup_inputs(seed: int = 0) -> dict:
    key = jax.random.key(seed)
    k1, k2, k3, k4, k5 = jax.random.split(key, 5)
    inputs = jax.random.randint(k1, (BATCH, 2), 0, min(NUM_USERS, NUM_PLACE), dtype=jnp.int64 if jax.config.read('jax_enable_x64') else jnp.int32)
    # he_normal init: stddev = sqrt(2 / fan_in); for Embedding fan_in = embedding_size
    user_emb = jax.random.normal(k2, (NUM_USERS, EMBED_DIM), dtype=jnp.float32) * np.sqrt(2.0 / EMBED_DIM)
    place_emb = jax.random.normal(k3, (NUM_PLACE, EMBED_DIM), dtype=jnp.float32) * np.sqrt(2.0 / EMBED_DIM)
    user_bias = jnp.zeros((NUM_USERS, 1), dtype=jnp.float32)
    place_bias = jnp.zeros((NUM_PLACE, 1), dtype=jnp.float32)
    return {"inputs": inputs, "user_emb": user_emb, "place_emb": place_emb, "user_bias": user_bias, "place_bias": place_bias}

def reference(inputs, user_emb, place_emb, user_bias, place_bias):
    user_idx = inputs[:, 0]
    place_idx = inputs[:, 1]
    user_vector = jnp.take(user_emb, user_idx, axis=0)          # [B, D]
    place_vector = jnp.take(place_emb, place_idx, axis=0)       # [B, D]
    ub = jnp.take(user_bias, user_idx, axis=0)                  # [B, 1]
    pb = jnp.take(place_bias, place_idx, axis=0)                # [B, 1]
    dot_user_place = jnp.sum(user_vector * place_vector, axis=1, keepdims=True)  # Dot(axes=1) -> [B, 1]
    x = dot_user_place + ub + pb                                 # Add -> [B, 1]
    return x.reshape(x.shape[0], -1)                             # Flatten -> [B, 1]

if __name__ == "__main__":
    import jax
    _d = setup_inputs()
    print(jax.jit(kernel)(*tuple(_d.values())))

</pallas_src>

<mosaic_0001>
#map = affine_map<(d0, d1) -> (0)>
#map1 = affine_map<(d0, d1) -> (0, 0)>
module attributes {stable_mosaic.version = 14 : i64} {
  func.func @_sc_body(%arg0: i32, %arg1: i32, %arg2: memref<16384xi32, #tpu.memory_space<hbm>>, %arg3: memref<16384xi32, #tpu.memory_space<hbm>>, %arg4: memref<1000000x64xf32, #tpu.memory_space<hbm>>, %arg5: memref<1000000x64xf32, #tpu.memory_space<hbm>>, %arg6: memref<1000000xf32, #tpu.memory_space<hbm>>, %arg7: memref<1000000xf32, #tpu.memory_space<hbm>>, %arg8: memref<16384xf32, #tpu.memory_space<hbm>>, %arg9: memref<512xi32, #tpu.memory_space<vmem>>, %arg10: memref<512xi32, #tpu.memory_space<vmem>>, %arg11: memref<512x64xf32, #tpu.memory_space<vmem>>, %arg12: memref<512x64xf32, #tpu.memory_space<vmem>>, %arg13: memref<512xf32, #tpu.memory_space<vmem>>, %arg14: memref<512xf32, #tpu.memory_space<vmem>>, %arg15: memref<512xf32, #tpu.memory_space<vmem>>, %arg16: memref<!tpu.dma_semaphore, #tpu.memory_space<semaphore_mem>>) attributes {dimension_semantics = [#tpu.dimension_semantics<core_parallel>, #tpu.dimension_semantics<subcore_parallel>], iteration_bounds = array<i64: 2, 16>, scalar_prefetch = 0 : i64, scratch_operands = 8 : i64, tpu.core_type = #tpu.core_type<sc_vector_subcore>, window_params = [{transform_indices = #map}, {transform_indices = #map}, {transform_indices = #map1}, {transform_indices = #map1}, {transform_indices = #map}, {transform_indices = #map}, {transform_indices = #map}]} {
    %mul3A = arith.constant 2 : i32
    %mul3A_0 = arith.muli %arg1, %mul3A : i32
    %add3A = arith.addi %mul3A_0, %arg0 : i32
    %mul3A_1 = arith.constant 512 : i32
    %mul3A_2 = arith.muli %add3A, %mul3A_1 : i32
    "tpu.region"() ({
      %run_scoped3A = tpu.sem_alloc : memref<!tpu.dma_semaphore, #tpu.memory_space<semaphore_mem>>
      %dma_start3A_34 = tpu.memref_slice %arg2[%mul3A_2] : memref<16384xi32, #tpu.memory_space<hbm>> -> memref<512xi32, #tpu.memory_space<hbm>>
      %dma_start3A_35 = tpu.memref_slice %arg2[%mul3A_2] : memref<16384xi32, #tpu.memory_space<hbm>> -> memref<512xi32, #tpu.memory_space<hbm>>
      tpu.enqueue_dma source(%dma_start3A_35 : memref<512xi32, #tpu.memory_space<hbm>>) target(%arg9 : memref<512xi32, #tpu.memory_space<vmem>>) target_semaphore(%run_scoped3A : memref<!tpu.dma_semaphore, #tpu.memory_space<semaphore_mem>>)
      %dma_wait3A_36 = tpu.memref_slice %arg2[%mul3A_2] : memref<16384xi32, #tpu.memory_space<hbm>> -> memref<512xi32, #tpu.memory_space<hbm>>
      %dma_wait3A_37 = tpu.memref_slice %arg2[%mul3A_2] : memref<16384xi32, #tpu.memory_space<hbm>> -> memref<512xi32, #tpu.memory_space<hbm>>
      tpu.wait_dma2 semaphore(%run_scoped3A : memref<!tpu.dma_semaphore, #tpu.memory_space<semaphore_mem>>) src(%dma_wait3A_37 : memref<512xi32, #tpu.memory_space<hbm>>) dst(%arg9 : memref<512xi32, #tpu.memory_space<vmem>>)
      tpu.yield
    }) : () -> ()
    "tpu.region"() ({
      %run_scoped3A = tpu.sem_alloc : memref<!tpu.dma_semaphore, #tpu.memory_space<semaphore_mem>>
      %dma_start3A_34 = tpu.memref_slice %arg3[%mul3A_2] : memref<16384xi32, #tpu.memory_space<hbm>> -> memref<512xi32, #tpu.memory_space<hbm>>
      %dma_start3A_35 = tpu.memref_slice %arg3[%mul3A_2] : memref<16384xi32, #tpu.memory_space<hbm>> -> memref<512xi32, #tpu.memory_space<hbm>>
      tpu.enqueue_dma source(%dma_start3A_35 : memref<512xi32, #tpu.memory_space<hbm>>) target(%arg10 : memref<512xi32, #tpu.memory_space<vmem>>) target_semaphore(%run_scoped3A : memref<!tpu.dma_semaphore, #tpu.memory_space<semaphore_mem>>)
      %dma_wait3A_36 = tpu.memref_slice %arg3[%mul3A_2] : memref<16384xi32, #tpu.memory_space<hbm>> -> memref<512xi32, #tpu.memory_space<hbm>>
      %dma_wait3A_37 = tpu.memref_slice %arg3[%mul3A_2] : memref<16384xi32, #tpu.memory_space<hbm>> -> memref<512xi32, #tpu.memory_space<hbm>>
      tpu.wait_dma2 semaphore(%run_scoped3A : memref<!tpu.dma_semaphore, #tpu.memory_space<semaphore_mem>>) src(%dma_wait3A_37 : memref<512xi32, #tpu.memory_space<hbm>>) dst(%arg10 : memref<512xi32, #tpu.memory_space<vmem>>)
      tpu.yield
    }) : () -> ()
    %dma_start3A = arith.constant 0 : i32
    %dma_start3A_3 = arith.constant 0 : i32
    %dma_start3A_4 = tpu.memref_slice %arg4[%dma_start3A, %dma_start3A_3] : memref<1000000x64xf32, #tpu.memory_space<hbm>> -> memref<1000000x64xf32, #tpu.memory_space<hbm>>
    tpu.enqueue_indirect_dma source(%dma_start3A_4 : memref<1000000x64xf32, #tpu.memory_space<hbm>>) target(%arg11 : memref<512x64xf32, #tpu.memory_space<vmem>>) offsets(%arg9 : memref<512xi32, #tpu.memory_space<vmem>>) semaphore(%arg16 : memref<!tpu.dma_semaphore, #tpu.memory_space<semaphore_mem>>)
    %dma_start3A_5 = arith.constant 0 : i32
    %dma_start3A_6 = arith.constant 0 : i32
    %dma_start3A_7 = tpu.memref_slice %arg5[%dma_start3A_5, %dma_start3A_6] : memref<1000000x64xf32, #tpu.memory_space<hbm>> -> memref<1000000x64xf32, #tpu.memory_space<hbm>>
    tpu.enqueue_indirect_dma source(%dma_start3A_7 : memref<1000000x64xf32, #tpu.memory_space<hbm>>) target(%arg12 : memref<512x64xf32, #tpu.memory_space<vmem>>) offsets(%arg10 : memref<512xi32, #tpu.memory_space<vmem>>) semaphore(%arg16 : memref<!tpu.dma_semaphore, #tpu.memory_space<semaphore_mem>>)
    %dma_start3A_8 = arith.constant 0 : i32
    %dma_start3A_9 = tpu.memref_slice %arg6[%dma_start3A_8] : memref<1000000xf32, #tpu.memory_space<hbm>> -> memref<1000000xf32, #tpu.memory_space<hbm>>
    tpu.enqueue_indirect_dma source(%dma_start3A_9 : memref<1000000xf32, #tpu.memory_space<hbm>>) target(%arg13 : memref<512xf32, #tpu.memory_space<vmem>>) offsets(%arg9 : memref<512xi32, #tpu.memory_space<vmem>>) semaphore(%arg16 : memref<!tpu.dma_semaphore, #tpu.memory_space<semaphore_mem>>)
    %dma_start3A_10 = arith.constant 0 : i32
    %dma_start3A_11 = tpu.memref_slice %arg7[%dma_start3A_10] : memref<1000000xf32, #tpu.memory_space<hbm>> -> memref<1000000xf32, #tpu.memory_space<hbm>>
    tpu.enqueue_indirect_dma source(%dma_start3A_11 : memref<1000000xf32, #tpu.memory_space<hbm>>) target(%arg14 : memref<512xf32, #tpu.memory_space<vmem>>) offsets(%arg10 : memref<512xi32, #tpu.memory_space<vmem>>) semaphore(%arg16 : memref<!tpu.dma_semaphore, #tpu.memory_space<semaphore_mem>>)
    %dma_wait3A = arith.constant 0 : i32
    %dma_wait3A_12 = arith.constant 0 : i32
    %dma_wait3A_13 = tpu.memref_slice %arg4[%dma_wait3A, %dma_wait3A_12] : memref<1000000x64xf32, #tpu.memory_space<hbm>> -> memref<1000000x64xf32, #tpu.memory_space<hbm>>
    tpu.wait_indirect_dma semaphore(%arg16 : memref<!tpu.dma_semaphore, #tpu.memory_space<semaphore_mem>>) src(%dma_wait3A_13 : memref<1000000x64xf32, #tpu.memory_space<hbm>>) dst(%arg11 : memref<512x64xf32, #tpu.memory_space<vmem>>)
    %dma_wait3A_14 = arith.constant 0 : i32
    %dma_wait3A_15 = arith.constant 0 : i32
    %dma_wait3A_16 = tpu.memref_slice %arg5[%dma_wait3A_14, %dma_wait3A_15] : memref<1000000x64xf32, #tpu.memory_space<hbm>> -> memref<1000000x64xf32, #tpu.memory_space<hbm>>
    tpu.wait_indirect_dma semaphore(%arg16 : memref<!tpu.dma_semaphore, #tpu.memory_space<semaphore_mem>>) src(%dma_wait3A_16 : memref<1000000x64xf32, #tpu.memory_space<hbm>>) dst(%arg12 : memref<512x64xf32, #tpu.memory_space<vmem>>)
    %dma_wait3A_17 = arith.constant 0 : i32
    %dma_wait3A_18 = tpu.memref_slice %arg6[%dma_wait3A_17] : memref<1000000xf32, #tpu.memory_space<hbm>> -> memref<1000000xf32, #tpu.memory_space<hbm>>
    tpu.wait_indirect_dma semaphore(%arg16 : memref<!tpu.dma_semaphore, #tpu.memory_space<semaphore_mem>>) src(%dma_wait3A_18 : memref<1000000xf32, #tpu.memory_space<hbm>>) dst(%arg13 : memref<512xf32, #tpu.memory_space<vmem>>)
    %dma_wait3A_19 = arith.constant 0 : i32
    %dma_wait3A_20 = tpu.memref_slice %arg7[%dma_wait3A_19] : memref<1000000xf32, #tpu.memory_space<hbm>> -> memref<1000000xf32, #tpu.memory_space<hbm>>
    tpu.wait_indirect_dma semaphore(%arg16 : memref<!tpu.dma_semaphore, #tpu.memory_space<semaphore_mem>>) src(%dma_wait3A_20 : memref<1000000xf32, #tpu.memory_space<hbm>>) dst(%arg14 : memref<512xf32, #tpu.memory_space<vmem>>)
    %iota3A = tpu.iota {dimensions = array<i32: 0>} : vector<16xi32>
    %eq3A = arith.constant 15 : i32
    %eq3A_21 = vector.broadcast %eq3A : i32 to vector<16xi32>
    %eq3A_22 = arith.cmpi eq, %iota3A, %eq3A_21 : vector<16xi32>
    %scan3A = arith.constant 0 : i32
    %scan3A_23 = arith.constant 0 : i32
    %scan3A_24 = arith.constant 512 : i32
    %scan3A_25 = arith.addi %scan3A_23, %scan3A_24 : i32
    %scan3A_26 = arith.constant 1 : i32
    scf.for %scan3A_34 = %scan3A_23 to %scan3A_25 step %scan3A_26  : i32 {
      %get3A = arith.index_cast %scan3A_34 : i32 to index
      %get3A_35 = arith.constant 0 : index
      %get3A_36 = tpu.vector_load %arg11[%get3A, %get3A_35] {strides = array<i32>} : memref<512x64xf32, #tpu.memory_space<vmem>>, vector<16xf32>,
      %get3A_37 = arith.index_cast %scan3A_34 : i32 to index
      %get3A_38 = arith.constant 0 : index
      %get3A_39 = tpu.vector_load %arg12[%get3A_37, %get3A_38] {strides = array<i32>} : memref<512x64xf32, #tpu.memory_space<vmem>>, vector<16xf32>,
      %mul3A_40 = arith.mulf %get3A_36, %get3A_39 : vector<16xf32>
      %get3A_41 = arith.index_cast %scan3A_34 : i32 to index
      %get3A_42 = arith.constant 16 : index
      %get3A_43 = tpu.vector_load %arg11[%get3A_41, %get3A_42] {strides = array<i32>} : memref<512x64xf32, #tpu.memory_space<vmem>>, vector<16xf32>,
      %get3A_44 = arith.index_cast %scan3A_34 : i32 to index
      %get3A_45 = arith.constant 16 : index
      %get3A_46 = tpu.vector_load %arg12[%get3A_44, %get3A_45] {strides = array<i32>} : memref<512x64xf32, #tpu.memory_space<vmem>>, vector<16xf32>,
      %mul3A_47 = arith.mulf %get3A_43, %get3A_46 : vector<16xf32>
      %add3A_48 = arith.addf %mul3A_40, %mul3A_47 : vector<16xf32>
      %get3A_49 = arith.index_cast %scan3A_34 : i32 to index
      %get3A_50 = arith.constant 32 : index
      %get3A_51 = tpu.vector_load %arg11[%get3A_49, %get3A_50] {strides = array<i32>} : memref<512x64xf32, #tpu.memory_space<vmem>>, vector<16xf32>,
      %get3A_52 = arith.index_cast %scan3A_34 : i32 to index
      %get3A_53 = arith.constant 32 : index
      %get3A_54 = tpu.vector_load %arg12[%get3A_52, %get3A_53] {strides = array<i32>} : memref<512x64xf32, #tpu.memory_space<vmem>>, vector<16xf32>,
      %mul3A_55 = arith.mulf %get3A_51, %get3A_54 : vector<16xf32>
      %add3A_56 = arith.addf %add3A_48, %mul3A_55 : vector<16xf32>
      %get3A_57 = arith.index_cast %scan3A_34 : i32 to index
      %get3A_58 = arith.constant 48 : index
      %get3A_59 = tpu.vector_load %arg11[%get3A_57, %get3A_58] {strides = array<i32>} : memref<512x64xf32, #tpu.memory_space<vmem>>, vector<16xf32>,
      %get3A_60 = arith.index_cast %scan3A_34 : i32 to index
      %get3A_61 = arith.constant 48 : index
      %get3A_62 = tpu.vector_load %arg12[%get3A_60, %get3A_61] {strides = array<i32>} : memref<512x64xf32, #tpu.memory_space<vmem>>, vector<16xf32>,
      %mul3A_63 = arith.mulf %get3A_59, %get3A_62 : vector<16xf32>
      %add3A_64 = arith.addf %add3A_56, %mul3A_63 : vector<16xf32>
      %broadcast_in_dim3A = arith.constant true
      %broadcast_in_dim3A_65 = vector.broadcast %broadcast_in_dim3A : i1 to vector<16xi1>
      %masked_cumsum3A = tpu.scan <sum>, %add3A_64 masked %broadcast_in_dim3A_65 : vector<16xf32>, vector<16xi1> -> vector<16xf32>
      %broadcast_in_dim3A_66 = vector.broadcast %scan3A_34 : i32 to vector<16xi32>
      tpu.vector_store_idx %arg15[%broadcast_in_dim3A_66], %masked_cumsum3A masked %eq3A_22 : memref<512xf32, #tpu.memory_space<vmem>>[vector<16xi32>], vector<16xf32>, vector<16xi1>
    }
    %scan3A_27 = arith.constant 512 : i32
    %scan3A_28 = arith.constant 0 : i32
    %scan3A_29 = arith.constant 0 : i32
    %scan3A_30 = arith.constant 32 : i32
    %scan3A_31 = arith.addi %scan3A_29, %scan3A_30 : i32
    %scan3A_32 = arith.constant 1 : i32
    scf.for %scan3A_34 = %scan3A_29 to %scan3A_31 step %scan3A_32  : i32 {
      %mul3A_35 = arith.constant 16 : i32
      %mul3A_36 = arith.muli %scan3A_34, %mul3A_35 : i32
      %get3A = arith.index_cast %mul3A_36 : i32 to index
      %get3A_37 = tpu.vector_load %arg15[%get3A] {strides = array<i32>} : memref<512xf32, #tpu.memory_space<vmem>>, vector<16xf32>,
      %get3A_38 = arith.index_cast %mul3A_36 : i32 to index
      %get3A_39 = tpu.vector_load %arg13[%get3A_38] {strides = array<i32>} : memref<512xf32, #tpu.memory_space<vmem>>, vector<16xf32>,
      %add3A_40 = arith.addf %get3A_37, %get3A_39 : vector<16xf32>
      %get3A_41 = arith.index_cast %mul3A_36 : i32 to index
      %get3A_42 = tpu.vector_load %arg14[%get3A_41] {strides = array<i32>} : memref<512xf32, #tpu.memory_space<vmem>>, vector<16xf32>,
      %add3A_43 = arith.addf %add3A_40, %get3A_42 : vector<16xf32>
      %swap3A = arith.index_cast %mul3A_36 : i32 to index
      %swap3A_44 = tpu.vector_load %arg15[%swap3A] {strides = array<i32>} : memref<512xf32, #tpu.memory_space<vmem>>, vector<16xf32>,
      tpu.vector_store %arg15[%swap3A], %add3A_43 {strides = array<i32>} : memref<512xf32, #tpu.memory_space<vmem>>, vector<16xf32>,
    }
    %scan3A_33 = arith.constant 32 : i32
    "tpu.region"() ({
      %run_scoped3A = tpu.sem_alloc : memref<!tpu.dma_semaphore, #tpu.memory_space<semaphore_mem>>
      %dma_start3A_34 = tpu.memref_slice %arg8[%mul3A_2] : memref<16384xf32, #tpu.memory_space<hbm>> -> memref<512xf32, #tpu.memory_space<hbm>>
      %dma_start3A_35 = tpu.memref_slice %arg8[%mul3A_2] : memref<16384xf32, #tpu.memory_space<hbm>> -> memref<512xf32, #tpu.memory_space<hbm>>
      tpu.enqueue_dma source(%arg15 : memref<512xf32, #tpu.memory_space<vmem>>) target(%dma_start3A_35 : memref<512xf32, #tpu.memory_space<hbm>>) target_semaphore(%run_scoped3A : memref<!tpu.dma_semaphore, #tpu.memory_space<semaphore_mem>>)
      %dma_wait3A_36 = tpu.memref_slice %arg8[%mul3A_2] : memref<16384xf32, #tpu.memory_space<hbm>> -> memref<512xf32, #tpu.memory_space<hbm>>
      %dma_wait3A_37 = tpu.memref_slice %arg8[%mul3A_2] : memref<16384xf32, #tpu.memory_space<hbm>> -> memref<512xf32, #tpu.memory_space<hbm>>
      tpu.wait_dma2 semaphore(%run_scoped3A : memref<!tpu.dma_semaphore, #tpu.memory_space<semaphore_mem>>) src(%arg15 : memref<512xf32, #tpu.memory_space<vmem>>) dst(%dma_wait3A_37 : memref<512xf32, #tpu.memory_space<hbm>>)
      tpu.yield
    }) : () -> ()
    return
  }
}

</mosaic_0001>

<sc_bundles>
// kernel: _run.3.cloned.1.call-start
scs
__scs_entry_jumppad:
0x0: {  	(pc) =	sbr.rel $0x88, $3  }
0x1: {  	(tag) =	ssettag $0x0;
	lr =	simm.s32 $0x1  }
0x2: {  	[smem:$0x3F9B] =	sst lr;
	_ =	strace $0xD0000000  }
0x3: {  	_ = 	snop  }
0x4: {  	_ = 	snop  }
0x5: {  	_ = 	snop  }
0x6: {  	_ = 	snop  }
0x7: {  	_ = 	snop  }
__scs_overlays_trampoline_lowered:
0x8: {  	[smem:$0x3FAA] =	sst s0  }
0x9: {  	[smem:$0x3FAB] =	sst s1  }
0xa: {  	[smem:$0x3FAC] =	sst s2  }
0xb: {  	[smem:$0x3FAD] =	sst s3  }
0xc: {  	[smem:$0x3FAE] =	sst s4  }
0xd: {  	[smem:$0x3FAF] =	sst s5  }
0xe: {  	[smem:$0x3FB0] =	sst s6  }
0xf: {  	[smem:$0x3FB1] =	sst s7  }
0x10: {  	[smem:$0x3FB2] =	sst s8  }
0x11: {  	[smem:$0x3FB3] =	sst s9;
	s0 =	simm.s32 @!p0 $0x0  }
0x12: {  	s1 =	sld [smem:$0x3F99];
	s0 =	simm.s32 @p0 $0x1  }
0x13: {  	[smem:$0x3FB4] =	sst s0;
	s0 =	simm.s32 @!p1 $0x0  }
0x14: {  	s2 =	sld [smem:$0x3F98];
	s0 =	simm.s32 @p1 $0x1  }
0x15: {  	[smem:$0x3FB5] =	sst s0;
	s0 =	simm.s32 @!p2 $0x0  }
0x16: {  	s3 =	sld [smem:$0x3FDB];
	s0 =	simm.s32 @p2 $0x1  }
0x17: {  	s4 =	simm.s32 $0x1BF5;
	[smem:$0x3FB7] =	sst s0  }
0x18: {  	s0 =	sld [smem:$0x3F9A];
	_ =	swait.ge [sflag:s4], $0x0  }
0x19: {  	s7 =	sld [smem:$0x3F9B]  }
0x1a: {  	s8 =	sadd.s32 $0xFFFFE003, lr  }
0x1b: {  	s9 =	sadd.s32 $0xFFFFFEF7, lr;
	s5 =	simm.s32 $0xFFFFFFFF;
	p2 =	slt.u32 s8, $0xFFFFF086  }
0x1c: {  	p1 =	slt.u32 s9, $0xF7A;
	s5 =	simm.s32 @!p2 $0x0  }
0x1d: {  	s5 =	simm.s32 @p1 $0x1;
	p0 =	seq.s32 s7, s2  }
0x1e: {  	s7 =	smul.u32 @!p0 $0xF7A, s2;
	p2 =	seq.s32 @!p0 s5, $0x0  }
0x1f: {  	s9 =	smul.u32 $0xF7A, s1;
	s8 =	simm.s32 @!p0 $0x1BF5;
	p2 =	por !p2, p0  }
0x20: {  	[sflag:s8] =	ssyncset.s32 @!p0 $0xFFFFF086;
	s6 =	sadd.s32 @!p0 s3, s7;
	s7 =	simm.s32 @!p0 $0x108  }
0x21: {  	s3 =	sadd.s32 s3, s9;
	s6 =	sadd.s32 @!p0 $0x88, s6;
	s7 =	simm.s32 @p2 $0x1082  }
0x22: {  	[simem:s7], [sflag:s8] =	dma.local @!p0 [hbm:s6], $0xF7A  }
0x23: {  	s9 =	sor.u32 $0xD0000000, s2;
	s6 =	simm.s32 $0x108;
	_ =	swait.ge @!p0 [sflag:s8], $0x0  }
0x24: {  	s3 =	sadd.s32 $0x88, s3;
	s6 =	simm.s32 @!p1 $0x1082;
	[sflag:s4] =	ssyncset.s32 $0xFFFFF086  }
0x25: {  	[simem:s6], [sflag:s4] =	dma.local [hbm:s3], $0xF7A  }
0x26: {  	[smem:$0x3F9B] =	sst s1;
	(tag) =	ssettag s2;
	_ =	strace s9  }
0x27: {  	s1 =	sld [smem:$0x3FAB]  }
0x28: {  	s2 =	sld [smem:$0x3FAC]  }
0x29: {  	s4 =	sld [smem:$0x3FAE]  }
0x2a: {  	p0 =	seq.s32 s5, $0x0;
	s5 =	sld [smem:$0x3FAF]  }
0x2b: {  	s6 =	sld [smem:$0x3FB0]  }
0x2c: {  	s7 =	sld [smem:$0x3FB1]  }
0x2d: {  	s3 =	simm.s32 $0x108;
	s8 =	sld [smem:$0x3FB2]  }
0x2e: {  	s3 =	simm.s32 @!p0 $0x1082;
	s9 =	sld [smem:$0x3FB3]  }
0x2f: {  	lr =	sadd.s32 s0, s3;
	s0 =	sld [smem:$0x3FAA]  }
0x30: {  	s3 =	sld [smem:$0x3FAD]  }
0x31: {  	[smem:$0x3FB6] =	sst s10  }
0x32: {  	s10 =	sld [smem:$0x3FB4];
	_ =	sdelay $0x3  }
0x33: {  	p0 =	seq.s32 s10, $0x1;
	s10 =	sld [smem:$0x3FB6];
	_ =	sdelay $0x3  }
0x34: {  	[smem:$0x3FB6] =	sst s10  }
0x35: {  	s10 =	sld [smem:$0x3FB5];
	_ =	sdelay $0x3  }
0x36: {  	p1 =	seq.s32 s10, $0x1;
	s10 =	sld [smem:$0x3FB6];
	_ =	sdelay $0x3  }
0x37: {  	[smem:$0x3FB6] =	sst s10  }
0x38: {  	s10 =	sld [smem:$0x3FB7]  }
0x39: {  	_ = 	snop;
	(pc) =	sbr.ind lr, $3  }
0x3a: {  	_ = 	snop  }
0x3b: {  	_ = 	snop  }
0x3c: {  	p2 =	seq.s32 s10, $0x1;
	s10 =	sld [smem:$0x3FB6]  }
0x3d: {  	_ =	shalt  }
0x3e: {  	_ =	shalt  }
0x3f: {  	_ =	shalt  }
0x40: {  	_ =	shalt  }
0x41: {  	_ =	shalt  }
0x42: {  	_ =	shalt  }
0x43: {  	_ =	shalt  }
0x44: {  	_ =	shalt  }
0x45: {  	_ =	shalt  }
0x46: {  	_ =	shalt  }
0x47: {  	_ =	shalt  }
0x48: {  	_ =	shalt  }
0x49: {  	_ =	shalt  }
0x4a: {  	_ =	shalt  }
0x4b: {  	_ =	shalt  }
0x4c: {  	_ =	shalt  }
0x4d: {  	_ =	shalt  }
0x4e: {  	_ =	shalt  }
0x4f: {  	_ =	shalt  }
0x50: {  	_ =	shalt  }
0x51: {  	_ =	shalt  }
0x52: {  	_ =	shalt  }
0x53: {  	_ =	shalt  }
0x54: {  	_ =	shalt  }
0x55: {  	_ =	shalt  }
0x56: {  	_ =	shalt  }
0x57: {  	_ =	shalt  }
0x58: {  	_ =	shalt  }
0x59: {  	_ =	shalt  }
0x5a: {  	_ =	shalt  }
0x5b: {  	_ =	shalt  }
0x5c: {  	_ =	shalt  }
0x5d: {  	_ =	shalt  }
0x5e: {  	_ =	shalt  }
0x5f: {  	_ =	shalt  }
0x60: {  	_ =	shalt  }
0x61: {  	_ =	shalt  }
0x62: {  	_ =	shalt  }
0x63: {  	_ =	shalt  }
0x64: {  	_ =	shalt  }
0x65: {  	_ =	shalt  }
0x66: {  	_ =	shalt  }
0x67: {  	_ =	shalt  }
0x68: {  	_ =	shalt  }
0x69: {  	_ =	shalt  }
0x6a: {  	_ =	shalt  }
0x6b: {  	_ =	shalt  }
0x6c: {  	_ =	shalt  }
0x6d: {  	_ =	shalt  }
0x6e: {  	_ =	shalt  }
0x6f: {  	_ =	shalt  }
0x70: {  	_ =	shalt  }
0x71: {  	_ =	shalt  }
0x72: {  	_ =	shalt  }
0x73: {  	_ =	shalt  }
0x74: {  	_ =	shalt  }
0x75: {  	_ =	shalt  }
0x76: {  	_ =	shalt  }
0x77: {  	_ =	shalt  }
0x78: {  	_ =	shalt  }
0x79: {  	_ =	shalt  }
0x7a: {  	_ =	shalt  }
0x7b: {  	_ =	shalt  }
0x7c: {  	_ =	shalt  }
0x7d: {  	_ =	shalt  }
0x7e: {  	_ =	shalt  }
0x7f: {  	_ =	shalt  }
0x80: {  	_ =	shalt  }
0x81: {  	_ =	shalt  }
0x82: {  	_ =	shalt  }
0x83: {  	_ =	shalt  }
0x84: {  	_ =	shalt  }
0x85: {  	_ =	shalt  }
0x86: {  	_ =	shalt  }
0x87: {  	_ =	shalt  }
.Lfunc_end0:
.L_simem_size_0:
called_computation_lowered:
.L_overlay_start_0:
0x88: {  	s2 =	sld [smem:$0x3FD9]  }
0x89: {  	s3 =	sld [smem:$0x3FFE];
	_ =	sdelay $0x1  }
0x8a: {  	s1 =	srdreg.scid  }
0x8b: {  	s0 =	sand.u32 $0x1, s1  }
0x8c: {  	s17 =	sshll.u32 s0, $0xA;
	s2 =	sadd.s32 s3, s2  }
0x8d: {  	s2 =	sadd.s32 s2, s17  }
0x8e: {  	[smem:$0x3FC2] =	sst s2  }
0x8f: {  	_ = 	snop  }
0x90: {  	s2 =	sld [smem:$0x3FC9]  }
0x91: {  	s18 =	sld [smem:$0x3FC8]  }
0x92: {  	s4 =	sld [smem:$0x3FC5]  }
0x93: {  	s5 =	sld [smem:$0x3FC4]  }
0x94: {  	s6 =	sld [smem:$0x3FD0];
	(tm) =	ssettm $0x1  }
0x95: {  	s7 =	sld [smem:$0x3FFB];
	_ =	sdelay $0x3  }
0x96: {  	_ =	strace s7  }
0x97: {  	s7 =	sld [smem:$0x3FFC];
	_ =	sdelay $0x3  }
0x98: {  	_ =	strace s7  }
0x99: {  	s7 =	sld [smem:$0x3FFD];
	_ =	sdelay $0x3  }
0x9a: {  	_ =	strace s7  }
0x9b: {  	_ =	strace $0x8FFFFFFF  }
0x9c: {  	s19 =	sld [smem:$0x3FDB];
	_ =	sdelay $0x1  }
0x9d: {  	s8 =	simm.s32 $_scs_section_size  }
0x9e: {  	s9 =	simm.s32 $_size__tile_overlayer_lowered;
	s10 =	simm.s32 $_tile_overlayer_lowered  }
0x9f: {  	s22 =	simm.s32 $0x1BFF;
	s21 =	sshll.u32 s10, $0x1;
	s7 =	sadd.s32 s8, s19  }
0xa0: {  	s11 =	simm.s32 $0x0;
	s20 =	sshll.u32 s9, $0x1;
	s9 =	sadd.s32 s21, s7  }
0xa1: {  	[timem:s11], [sflag:s22] =	dma.local [hbm:s9], s20  }
0xa2: {  	_ =	swait.ge [sflag:s22], s20  }
0xa3: {  	s8 =	ssub.s32 $0x0, s20;
	[sflag:s22] =	ssyncset.done $0x0  }
0xa4: {  	[sflag:s22] =	ssyncadd.s32 s8;
	_ =	sdelay $0x1  }
0xa5: {  	s23 =	simm.s32 $0x1B8B  }
0xa6: {  	_ =	swait.ge [sflag:s23], $0x1  }
0xa7: {  	[sflag:s23] =	ssyncset.done $0x0  }
0xa8: {  	s25 =	simm.s32 $0x1B8E;
	s24 =	sld [smem:$0x3FFE];
	[sflag:s23] =	ssyncadd.s32 $0xFFFFFFFF  }
0xa9: {  	s26 =	simm.s32 $execute0_lowered;
	[smem:$0x3FD2] =	sst s25  }
0xaa: {  	s9 =	sshll.u32 s26, $0x1;
	_ =	strace $0x80000046;
	[dreg:$0x1] =	wrdreg $0xFFFFFFFF  }
0xab: {  	s28 =	simm.s32 $_size_execute0_lowered;
	s7 =	sadd.s32 s7, s9;
	[dreg:$0x0] =	wrdreg $0x0  }
0xac: {  	s9 =	sshll.u32 s28, $0x1;
	[dreg:$0x2] =	wrdreg s7  }
0xad: {  	[dreg:$0x3] =	wrdreg s9  }
0xae: {  	[dreg:$0x4] =	wrdreg $0xC0  }
0xaf: {  	_ =	task [dreg:s11], $0x5FFFF  }
0xb0: {  	[dreg:$0x1] =	wrdreg $0xFFFFFFFF  }
0xb1: {  	[dreg:$0x0] =	wrdreg $0x60  }
0xb2: {  	[dreg:$0x2] =	wrdreg s2  }
0xb3: {  	[dreg:$0x3] =	wrdreg s18  }
0xb4: {  	[dreg:$0x4] =	wrdreg s24  }
0xb5: {  	[dreg:$0x5] =	wrdreg s4  }
0xb6: {  	[dreg:$0x6] =	wrdreg s5  }
0xb7: {  	[dreg:$0x7] =	wrdreg s6  }
0xb8: {  	[dreg:$0x8] =	wrdreg $0x9  }
0xb9: {  	_ =	task.clear_ibuf [dreg:s11], $0x9FFFF;
	_ =	strace $0x90000046  }
0xba: {  	s29 =	simm.s32 $0x9;
	_ =	strace $0x80000048  }
0xbb: {  	_ =	swait.ge [sflag:s29], $0x1  }
0xbc: {  	[sflag:s29] =	ssyncadd.s32 $0xFFFFFFFF  }
0xbd: {  	_ =	strace $0x90000048  }
0xbe: {  	_ =	sfence  }
0xbf: {  	s30 =	sld [smem:$0x0];
	_ =	sdelay $0x2  }
0xc0: {  	s31 =	sshll.u32 s1, $0xD;
	s1 =	sshrl.u32 s1, $0x2  }
0xc1: {  	s3 =	sand.u32 $0x4000, s31;
	s1 =	sadd.s32 s1, s30  }
0xc2: {  	s0 =	sor.u32 s3, s0;
	s1 =	sshll.u32 s1, $0x11  }
0xc3: {  	s0 =	sor.u32 s1, s0  }
0xc4: {  	s0 =	sadd.s32 $0x8F2B, s0  }
0xc5: {  	[sflag:s0] =	ssyncadd.remote.s32 $0x1  }
0xc6: {  	_ =	sfence.sel $0xFFFF  }
0xc7: {  	[dreg:$0x0] =	wrdreg $0xFFFFFFFF;
	(pc) =	sbr.abs _section_cstart, $3  }
0xc8: {  	[dreg:$0x1] =	wrdreg $0xFFFFFFFF  }
0xc9: {  	_ =	task.clear_ibuf [dreg:s11], $0x2FFFF;
	_ =	strace $0x9FFFFFFF  }
0xca: {  	(tm) =	ssettm $0x7FFFFFFF  }
0xcb: {  	_ =	shalt  }
tec
execute0_lowered:
.L_overlay_start_1:
0x0: {  	(tag) =	ssettag $0x1  }
0x1: {  	s7 =	rddreg [dreg:$0x0]  }
0x2: {  	s8 =	rddreg [dreg:$0x1]  }
0x3: {  	s6 =	rddreg [dreg:$0x2]  }
0x4: {  	s1 =	rddreg [dreg:$0x3]  }
0x5: {  	s2 =	rddreg [dreg:$0x4]  }
0x6: {  	s9 =	rddreg [dreg:$0x5]  }
0x7: {  	s0 =	rddreg [dreg:$0x6]  }
0x8: {  	s4 =	simm.s32 $0x0;
	s5 =	srdreg.scid;
	s3 =	stileid.u32  }
0x9: {  	s14 =	simm.s32 $0x8400;
	s15 =	simm.s32 $0x10400;
	s16 =	simm.s32 $0x10600  }
0xa: {  	s17 =	simm.s32 $0x1;
	s18 =	simm.s32 $0x10800;
	s19 =	simm.s32 $0x0  }
0xb: {  	[smem:$0x7FF] =	sst s4;
	s5 =	sand.u32 $0x1, s5;
	s11 =	sshll.u32 s3, $0x7  }
0xc: {  	_ =	strace $0x80000047;
	s10 =	ssub.s32 $0x2, s5;
	s12 =	sshll.u32 s5, $0x6  }
0xd: {  	s5 =	sadd.s32 $0xF42800, s6;
	s6 =	sadd.s32 $0x16E3A00, s6;
	s13 =	sshrl.u32 s10, $0x1  }
0xe: {  	s11 =	sor.u32 s12, s11;
	s12 =	simm.s32 $0x200;
	s10 =	ssub.s32 s10, s13  }
0xf: {  	s7 =	sadd.s32 s7, s11;
	s8 =	sadd.s32 s8, s11;
	s9 =	sadd.s32 s9, s11  }
0x10: {  	vm0 =	vcmask $0x3F3C;
	s11 =	simm.s32 $0x2;
	s13 =	simm.s32 $0x400;
	s10 =	smax.u32 s10, $0x1  }
.LBB2_1:
0x11: {  	[tilespmem:s4], [sflag:$0x2] =	stream.linear.gather [hbm4b:s7+s4], $0x200, $0x38;
	[tilespmem:$0x10A00] =	vst v63  }
0x12: {  	_ =	swait.ge [sflag:s11], $0x200  }
0x13: {  	[sflag:s11] =	ssyncset.done $0x0  }
0x14: {  	[sflag:s11] =	ssyncadd.s32 $0xFFFFFE00  }
0x15: {  	[tilespmem:s12], [sflag:$0x2] =	stream.linear.gather [hbm4b:s8+s4], $0x200, $0x38;
	[tilespmem:$0x10A00] =	vst v63  }
0x16: {  	_ =	swait.ge [sflag:s11], $0x200  }
0x17: {  	[sflag:s11] =	ssyncset.done $0x0  }
0x18: {  	[sflag:s11] =	ssyncadd.s32 $0xFFFFFE00  }
0x19: {  	[tilespmem:s13], [sflag:$0x1] =	stream.indirect.gather [hbm4b:s5+s12], $0x40, s4, s12, $0xb8;
	[tilespmem:$0x10A00] =	vst v63  }
0x1a: {  	_ = 	snop  }
0x1b: {  	[tilespmem:s14], [sflag:$0x1] =	stream.indirect.gather [hbm4b:s6+s12], $0x40, s12, s12, $0xb8;
	[tilespmem:$0x10A00] =	vst v63  }
0x1c: {  	_ = 	snop  }
0x1d: {  	[tilespmem:s15], [sflag:$0x1] =	stream.indirect.gather [hbm4b:s1+s12], $0x1, s4, s12, $0xb8;
	[tilespmem:$0x10A00] =	vst v63  }
0x1e: {  	_ = 	snop  }
0x1f: {  	[tilespmem:s16], [sflag:$0x1] =	stream.indirect.gather [hbm4b:s2+s12], $0x1, s12, s12, $0xb8;
	[tilespmem:$0x10A00] =	vst v63  }
0x20: {  	_ =	swait.ge [sflag:s17], $0x8000  }
0x21: {  	[sflag:s17] =	ssyncset.done $0x0  }
0x22: {  	[sflag:s17] =	ssyncadd.s32 $0xFFFF8000  }
0x23: {  	_ =	swait.ge [sflag:s17], $0x8000  }
0x24: {  	[sflag:s17] =	ssyncset.done $0x0  }
0x25: {  	[sflag:s17] =	ssyncadd.s32 $0xFFFF8000  }
0x26: {  	_ =	swait.ge [sflag:s17], $0x200  }
0x27: {  	[sflag:s17] =	ssyncset.done $0x0  }
0x28: {  	[sflag:s17] =	ssyncadd.s32 $0xFFFFFE00  }
0x29: {  	_ =	swait.ge [sflag:s17], $0x200  }
0x2a: {  	[sflag:s17] =	ssyncset.done $0x0  }
0x2b: {  	s21 =	simm.s32 $0x8420;
	[sflag:s17] =	ssyncadd.s32 $0xFFFFFE00  }
0x2c: {  	s22 =	simm.s32 $0x420;
	v0 =	vld [tilespmem:s21+$0xFFFFFFE0]  }
0x2d: {  	v1 =	vld [tilespmem:s22+$0xFFFFFFE0]  }
0x2e: {  	v2 =	vld [tilespmem:s22+$0xFFFFFFF0]  }
0x2f: {  	s23 =	simm.s32 $0x1;
	s20 =	simm.s32 $0x0;
	v3 =	vld [tilespmem:s21+$0xFFFFFFF0]  }
.LBB2_2:
0x30: {  	p0 =	sne.s32 s23, $0x1FF;
	v4 =	vld [tilespmem:s22+$0x0]  }
0x31: {  	v5 =	vld [tilespmem:s21+$0x0]  }
0x32: {  	v6 =	vld [tilespmem:s22+$0x10]  }
0x33: {  	v7 =	vld [tilespmem:s21+$0x10]  }
0x34: {  	v0 =	vmul.f32 v0, v1;
	v1 =	vmul.f32 v3, v2;
	_ =	sdelay $0x1  }
0x35: {  	v0 =	vadd.f32 v1, v0;
	v1 =	vmul.f32 v5, v4;
	_ =	sdelay $0x1  }
0x36: {  	v0 =	vadd.f32 v1, v0;
	v1 =	vmul.f32 v7, v6;
	_ =	sdelay $0x1  }
0x37: {  	v0 =	vadd.f32 v1, v0;
	_ =	sdelay $0x1  }
0x38: {  	(xrf2) =	vadd.scan.msk.f32 $0xffff, v0;
	_ =	sdelay $0x5  }
0x39: {  	v0 =	vmov s20;
	s20 =	smov.u32 s23;
	_ =	sdelay $0x3  }
0x3a: {  	v1, _, _ =	vpop (xrf2)  }
.Ltmp0:
0x3b: {  	s21 =	sadd.s32 $0x40, s21;
	[tilespmem:v0+s18+$0x0] =	vst.idx.msk vm0, v1;
	(pc) =	sbr.rel @p0 .LBB2_2-.Ltmp0, $4  }
0x3c: {  	s22 =	sadd.s32 $0x40, s22;
	v0 =	vld [tilespmem:s21+$0xFFFFFFE0]  }
0x3d: {  	v1 =	vld [tilespmem:s22+$0xFFFFFFE0]  }
0x3e: {  	v2 =	vld [tilespmem:s22+$0xFFFFFFF0]  }
0x3f: {  	s23 =	sadd.s32 $0x1, s23;
	v3 =	vld [tilespmem:s21+$0xFFFFFFF0]  }
0x40: {  	v4 =	vld [tilespmem:s22+$0x0]  }
0x41: {  	v5 =	vld [tilespmem:s21+$0x0]  }
0x42: {  	v6 =	vld [tilespmem:s22+$0x10]  }
0x43: {  	v7 =	vld [tilespmem:s21+$0x10]  }
0x44: {  	v0 =	vmul.f32 v0, v1;
	v1 =	vmul.f32 v3, v2;
	_ =	sdelay $0x1  }
0x45: {  	v0 =	vadd.f32 v1, v0;
	v1 =	vmul.f32 v5, v4;
	_ =	sdelay $0x1  }
0x46: {  	v0 =	vadd.f32 v1, v0;
	v1 =	vmul.f32 v7, v6;
	_ =	sdelay $0x1  }
0x47: {  	v0 =	vadd.f32 v1, v0;
	_ =	sdelay $0x1  }
0x48: {  	(xrf2) =	vadd.scan.msk.f32 $0xffff, v0;
	_ =	sdelay $0x5  }
0x49: {  	v0 =	vmov s20;
	_ =	sdelay $0x3  }
0x4a: {  	v1, _, _ =	vpop (xrf2)  }
0x4b: {  	s20 =	simm.s32 $0x0;
	[tilespmem:v0+s18+$0x0] =	vst.idx.msk vm0, v1  }
0x4c: {  	s21 =	simm.s32 $0x40;
	v0 =	vld [tilespmem:s20+$0x10400]  }
.LBB2_4:
0x4d: {  	p0 =	sne.s32 s21, $0x7C0;
	v1 =	vld [tilespmem:s20+$0x10800];
	_ =	sdelay $0x1  }
0x4e: {  	v2 =	vld [tilespmem:s20+$0x10600];
	_ =	sdelay $0x2  }
.Ltmp1:
0x4f: {  	v0 =	vadd.f32 v0, v1;
	(pc) =	sbr.rel @p0 .LBB2_4-.Ltmp1, $4  }
0x50: {  	_ = 	snop  }
0x51: {  	v1 =	vadd.f32 v2, v0  }
0x52: {  	s22 =	sshra.s32 s21, $0x2  }
0x53: {  	s21 =	sadd.s32 $0x40, s21;
	v0 =	vld [tilespmem:s22+$0x10400];
	[tilespmem:s20+$0x10800] =	vst v1;
	s20 =	smov.u32 s22  }
0x54: {  	v1 =	vld [tilespmem:s20+$0x10800];
	_ =	sdelay $0x1  }
0x55: {  	v2 =	vld [tilespmem:s20+$0x10600];
	_ =	sdelay $0x2  }
0x56: {  	v0 =	vadd.f32 v0, v1;
	_ =	sdelay $0x1  }
0x57: {  	s19 =	sadd.s32 $0x1, s19;
	v0 =	vadd.f32 v2, v0  }
0x58: {  	p0 =	sne.s32 s19, s10  }
.Ltmp2:
0x59: {  	[tilespmem:s20+$0x10800] =	vst v0;
	(pc) =	sbr.rel @p0 .LBB2_1-.Ltmp2, $4  }
0x5a: {  	[hbm4b:s9+s4] =	stream.linear.scatter [tilespmem:s18], [sflag:$0x2], $0x200, $0x38;
	[tilespmem:$0x10A00] =	vst v63  }
0x5b: {  	_ =	swait.ge [sflag:s11], $0x200  }
0x5c: {  	[sflag:s11] =	ssyncset.done $0x0  }
0x5d: {  	[sflag:s11] =	ssyncadd.s32 $0xFFFFFE00  }
0x5e: {  	_ =	sfence.sel $0x180000  }
0x5f: {  	[bflag:$0x0] =	sbarrier.arrive $0xFFFF  }
0x60: {  	p0 =	sne.s32 s3, $0x0;
	_ =	strace $0x90000047  }
0x61: {  	s0 =	sadd.s32 @!p0 $0x100000, s0;
	[bflag:$0x2] =	sbarrier.arrive $0xFFFF  }
0x62: {  	[sflag:s0] =	ssyncadd.tile.s32 @!p0 $0x1;
	_ =	shalt  }
.Lfunc_end2:
_tile_overlayer_lowered:
.L_overlay_start_2:
0x63: {  	(tag) =	ssettag $0x2  }
0x64: {  	s0 =	rddreg [dreg:$0x0];
	s2 =	stileid.u32  }
0x65: {  	s1 =	rddreg [dreg:$0x1];
	p0 =	sne.s32 s2, $0x0  }
0x66: {  	s3 =	rddreg [dreg:$0x2];
	[bflag:$0x3] =	sbarrier.arrive $0xFFFF;
	s2 =	simm.s32 @!p0 $0x1C02  }
0x67: {  	[timem:s3], [sflag:s2] =	dma.local @!p0 [hbm:s0], s1  }
0x68: {  	s0 =	simm.s32 @!p0 $0x2  }
0x69: {  	_ =	swait.ge @!p0 [sflag:s0], s1  }
0x6a: {  	s1 =	ssub.s32 @!p0 $0x0, s1;
	[sflag:s0] =	ssyncset.done @!p0 $0x0  }
0x6b: {  	[sflag:s0] =	ssyncadd.s32 @!p0 s1  }
0x6c: {  	[bflag:$0x3] =	sbarrier.arrive $0xFFFF  }
0x6d: {  	_ =	shalt  }

</sc_bundles>
